<compile_context>
chip_gen: v7x
topology: tpu7x:2x2x1
jax: 0.10.2.dev20260603
libtpu: 0.0.44.dev20260713+nightly
codegen_flags: <defaults>
</compile_context>

<pallas_src>
import functools

import jax
import jax.numpy as jnp
from jax import lax
from jax.experimental import pallas as pl
from jax.experimental.pallas import tpu as pltpu
from jax.experimental.pallas import tpu_sc as plsc

D_IN = 4096
D_OUT = 4096
NUMEL = D_OUT * D_IN

NC = 2
NS = 16
LANES = 16

HOP_W = 8192
UNIT = NS * HOP_W
HALF_U = NUMEL // NC // UNIT
PASS_U = 11
NPASS = -(-HALF_U // PASS_U)
REG_MAX = PASS_U * UNIT
DUMP = 2048
SPM_W = REG_MAX + 2 * DUMP
WIN = 7872


def _make_sc_fused(NWIN):
    NV = WIN // LANES
    mesh = plsc.VectorSubcoreMesh(
        core_axis_name="c", subcore_axis_name="s", num_cores=NC, num_subcores=NS
    )

    CHT = NWIN * WIN

    @functools.partial(
        pl.kernel,
        mesh=mesh,
        out_type=jax.ShapeDtypeStruct((NUMEL,), jnp.float32),
        scratch_types=[
            pltpu.VMEM((WIN,), jnp.int32),
            pltpu.VMEM((WIN,), jnp.float32),
            pltpu.VMEM((WIN,), jnp.int32),
            pltpu.VMEM((HOP_W,), jnp.float32),
            pltpu.VMEM_SHARED((SPM_W,), jnp.float32),
        ],
    )
    def sc_fused(w_hbm, idx_hbm, vals_hbm, wmod_hbm, idxw, valsw, ibuf,
                 hop, spmem):
        cid = lax.axis_index("c")
        sid = lax.axis_index("s")

        def pass_body(p, c0):
            su = jnp.minimum(jnp.int32(PASS_U),
                             jnp.int32(HALF_U) - p * PASS_U)
            rsize = su * jnp.int32(UNIT)
            rbase = cid * jnp.int32(NUMEL // NC) + p * jnp.int32(PASS_U * UNIT)
            tbase = rbase + sid * (su * jnp.int32(HOP_W))
            sbase = jnp.int32(DUMP) + sid * (su * jnp.int32(HOP_W))

            def hop_in(h, c3):
                pltpu.sync_copy(w_hbm.at[pl.ds(tbase + h * HOP_W, HOP_W)],
                                hop)
                pltpu.sync_copy(hop,
                                spmem.at[pl.ds(sbase + h * HOP_W, HOP_W)])
                return c3

            lax.fori_loop(0, su, hop_in, 0)
            plsc.subcore_barrier()

            def win_body(w, c1):
                fo = sid * CHT + w * WIN
                pltpu.sync_copy(idx_hbm.at[pl.ds(fo, WIN)], idxw)
                pltpu.sync_copy(vals_hbm.at[pl.ds(fo, WIN)], valsw)

                hi = rsize + jnp.int32(DUMP)

                def vbody(i, c2):
                    iv = idxw[pl.ds(i * LANES, LANES)]
                    loc = iv - (rbase - jnp.int32(DUMP))
                    spread = iv & jnp.int32(DUMP - 1)
                    loc = lax.max(loc, spread)
                    loc = lax.min(loc, spread + hi)
                    ibuf[pl.ds(i * LANES, LANES)] = loc
                    return c2

                lax.fori_loop(0, NV, vbody, 0)
                pltpu.sync_copy(valsw, spmem.at[ibuf], add=True)
                return c1

            lax.fori_loop(0, NWIN, win_body, 0)
            plsc.subcore_barrier()

            def hop_out(h, c4):
                pltpu.sync_copy(spmem.at[pl.ds(sbase + h * HOP_W, HOP_W)],
                                hop)
                pltpu.sync_copy(hop,
                                wmod_hbm.at[pl.ds(tbase + h * HOP_W, HOP_W)])
                return c4

            lax.fori_loop(0, su, hop_out, 0)
            plsc.subcore_barrier()
            return c0

        lax.fori_loop(0, NPASS, pass_body, 0)

    return sc_fused


def _mm_body(bn, x_ref, w_ref, b_ref, o_ref):
    w = w_ref[...].reshape(bn, D_IN)
    acc = lax.dot_general(
        x_ref[...],
        w,
        dimension_numbers=(((1,), (1,)), ((), ())),
        preferred_element_type=jnp.float32,
    )
    o_ref[...] = acc + b_ref[...][None, :]


def _tc_matmul(x, w_flat, b):
    bn = 512
    batch = x.shape[0]
    return pl.pallas_call(
        functools.partial(_mm_body, bn),
        grid=(D_OUT // bn,),
        in_specs=[
            pl.BlockSpec((batch, D_IN), lambda i: (0, 0)),
            pl.BlockSpec((bn * D_IN,), lambda i: (i,)),
            pl.BlockSpec((bn,), lambda i: (i,)),
        ],
        out_specs=pl.BlockSpec((batch, bn), lambda i: (0, i)),
        out_shape=jax.ShapeDtypeStruct((batch, D_OUT), jnp.float32),
    )(x, w_flat, b)


def kernel(x, W_flat, b, flip_vals, flip_idx):
    n = flip_idx.shape[0]
    chunk_q = NS * WIN
    nwin = -(-n // chunk_q)
    CH = nwin * WIN
    npad = CH * NS - n

    idx = flip_idx.astype(jnp.int32)
    vals = flip_vals.astype(jnp.float32)
    if npad:
        idx = jnp.concatenate([idx, jnp.broadcast_to(idx[0], (npad,))])
        vals = jnp.concatenate([vals, jnp.zeros((npad,), jnp.float32)])
    w_mod = _make_sc_fused(nwin)(W_flat, idx, vals)
    return _tc_matmul(x, w_mod, b)

# --- scband reference (transcript-rebuilt; emitter-appended) ---
"""Pipeline reference for scband-randomized-pruning-masks-16174846836835 (READ-ONLY COPY).

The authoritative reference and input builder live on the scoring server;
editing this copy changes nothing except your own understanding.
"""

import jax, jax.numpy as jnp
import numpy as np

D_IN = 4096
D_OUT = 4096
BATCH = 256
PHI = 0.1
SPARSITY = 0.9


def setup_inputs(seed: int = 0) -> dict:
    rng = np.random.default_rng(0)
    numel = D_OUT * D_IN
    # pruned linear weight: exactly SPARSITY fraction zeroed
    W = (rng.standard_normal(numel) * 0.02).astype(np.float32)
    perm = rng.permutation(numel)
    n_pruned = int(SPARSITY * numel)
    pruned_idx = perm[:n_pruned]
    W[pruned_idx] = 0.0
    # cached std of active (non-zero) weights, as in _compute_weight_stds
    active = W[W != 0]
    std = float(active.std()) if active.size > 0 else 0.01
    # phi fraction of pruning decisions randomized ('restore' mode)
    n_flip = max(1, int(PHI * n_pruned))
    flip_idx = pruned_idx[rng.permutation(n_pruned)[:n_flip]].astype(np.int64)
    flip_vals = rng.normal(0.0, std * 0.1, size=n_flip).astype(np.float32)
    b = (rng.standard_normal(D_OUT) * 0.01).astype(np.float32)
    key = jax.random.key(seed)
    x = jax.random.normal(key, (BATCH, D_IN), dtype=jnp.float32)
    return {
        "x": x,
        "W_flat": jnp.asarray(W),
        "b": jnp.asarray(b),
        "flip_vals": jnp.asarray(flip_vals),
        "flip_idx": jnp.asarray(flip_idx),
    }


def reference(x, W_flat, b, flip_vals, flip_idx):
    # _apply_mask_randomization: scatter-overwrite small random values into
    # phi-fraction of pruned positions of the weight memory
    W_mod = W_flat.at[flip_idx].set(flip_vals).reshape(D_OUT, D_IN)
    # self.model(x): pruned Linear forward with the randomized weights
    out = x @ W_mod.T + b
    # _restore_weights happens after forward in torch; functionally the
    # returned output is unchanged by restoration, so it is a no-op here.
    return out

if __name__ == "__main__":
    import jax
    _d = setup_inputs()
    print(jax.jit(kernel)(*tuple(_d.values())))

</pallas_src>

<mosaic_0001>
#map = affine_map<(d0, d1) -> (0)>
module attributes {stable_mosaic.version = 14 : i64} {
  func.func @sc_fused(%arg0: i32, %arg1: i32, %arg2: memref<16777216xf32, #tpu.memory_space<hbm>>, %arg3: memref<1511424xi32, #tpu.memory_space<hbm>>, %arg4: memref<1511424xf32, #tpu.memory_space<hbm>>, %arg5: memref<16777216xf32, #tpu.memory_space<hbm>>, %arg6: memref<7872xi32, #tpu.memory_space<vmem>>, %arg7: memref<7872xf32, #tpu.memory_space<vmem>>, %arg8: memref<7872xi32, #tpu.memory_space<vmem>>, %arg9: memref<8192xf32, #tpu.memory_space<vmem>>, %arg10: memref<1445888xf32, #tpu.memory_space<vmem_shared>>) attributes {dimension_semantics = [#tpu.dimension_semantics<core_parallel>, #tpu.dimension_semantics<subcore_parallel>], iteration_bounds = array<i64: 2, 16>, scalar_prefetch = 0 : i64, scratch_operands = 5 : i64, tpu.core_type = #tpu.core_type<sc_vector_subcore>, window_params = [{transform_indices = #map}, {transform_indices = #map}, {transform_indices = #map}, {transform_indices = #map}]} {
    %scan3A = arith.constant 0 : i32
    %scan3A_0 = arith.constant 0 : i32
    %scan3A_1 = arith.constant 6 : i32
    %scan3A_2 = arith.addi %scan3A_0, %scan3A_1 : i32
    %scan3A_3 = arith.constant 1 : i32
    scf.for %scan3A_5 = %scan3A_0 to %scan3A_2 step %scan3A_3  : i32 {
      %mul3A = arith.constant 11 : i32
      %mul3A_6 = arith.muli %scan3A_5, %mul3A : i32
      %sub3A = arith.constant 64 : i32
      %sub3A_7 = arith.subi %sub3A, %mul3A_6 : i32
      %min3A = arith.constant 11 : i32
      %min3A_8 = arith.minsi %min3A, %sub3A_7 : i32
      %mul3A_9 = arith.constant 131072 : i32
      %mul3A_10 = arith.muli %min3A_8, %mul3A_9 : i32
      %mul3A_11 = arith.constant 8388608 : i32
      %mul3A_12 = arith.muli %arg0, %mul3A_11 : i32
      %mul3A_13 = arith.constant 1441792 : i32
      %mul3A_14 = arith.muli %scan3A_5, %mul3A_13 : i32
      %add3A = arith.addi %mul3A_12, %mul3A_14 : i32
      %mul3A_15 = arith.constant 8192 : i32
      %mul3A_16 = arith.muli %min3A_8, %mul3A_15 : i32
      %mul3A_17 = arith.muli %arg1, %mul3A_16 : i32
      %add3A_18 = arith.addi %add3A, %mul3A_17 : i32
      %mul3A_19 = arith.constant 8192 : i32
      %mul3A_20 = arith.muli %min3A_8, %mul3A_19 : i32
      %mul3A_21 = arith.muli %arg1, %mul3A_20 : i32
      %add3A_22 = arith.constant 2048 : i32
      %add3A_23 = arith.addi %add3A_22, %mul3A_21 : i32
      %while3A = arith.constant 0 : i32
      %while3A_24 = arith.constant 0 : i32
      %while3A_25 = arith.subi %min3A_8, %while3A_24 : i32
      %while3A_26 = arith.addi %while3A_24, %while3A_25 : i32
      %while3A_27 = arith.constant 1 : i32
      %while3A_28 = arith.divsi %while3A_25, %while3A_27 : i32
      %while3A_29 = arith.muli %while3A_28, %while3A_27 : i32
      %while3A_30 = arith.addi %while3A_24, %while3A_29 : i32
      %while3A_31 = arith.constant 1 : i32
      scf.for %while3A_51 = %while3A_24 to %while3A_30 step %while3A_31  : i32 {
        %mul3A_52 = arith.constant 8192 : i32
        %mul3A_53 = arith.muli %while3A_51, %mul3A_52 : i32
        %add3A_54 = arith.addi %add3A_18, %mul3A_53 : i32
        "tpu.region"() ({
          %run_scoped3A = tpu.sem_alloc : memref<!tpu.dma_semaphore, #tpu.memory_space<semaphore_mem>>
          %dma_start3A = tpu.memref_slice %arg2[%add3A_54] : memref<16777216xf32, #tpu.memory_space<hbm>> -> memref<8192xf32, #tpu.memory_space<hbm>>
          %dma_start3A_58 = tpu.memref_slice %arg2[%add3A_54] : memref<16777216xf32, #tpu.memory_space<hbm>> -> memref<8192xf32, #tpu.memory_space<hbm>>
          tpu.enqueue_dma source(%dma_start3A_58 : memref<8192xf32, #tpu.memory_space<hbm>>) target(%arg9 : memref<8192xf32, #tpu.memory_space<vmem>>) target_semaphore(%run_scoped3A : memref<!tpu.dma_semaphore, #tpu.memory_space<semaphore_mem>>)
          %dma_wait3A = tpu.memref_slice %arg2[%add3A_54] : memref<16777216xf32, #tpu.memory_space<hbm>> -> memref<8192xf32, #tpu.memory_space<hbm>>
          %dma_wait3A_59 = tpu.memref_slice %arg2[%add3A_54] : memref<16777216xf32, #tpu.memory_space<hbm>> -> memref<8192xf32, #tpu.memory_space<hbm>>
          tpu.wait_dma2 semaphore(%run_scoped3A : memref<!tpu.dma_semaphore, #tpu.memory_space<semaphore_mem>>) src(%dma_wait3A_59 : memref<8192xf32, #tpu.memory_space<hbm>>) dst(%arg9 : memref<8192xf32, #tpu.memory_space<vmem>>)
          tpu.yield
        }) : () -> ()
        %mul3A_55 = arith.constant 8192 : i32
        %mul3A_56 = arith.muli %while3A_51, %mul3A_55 : i32
        %add3A_57 = arith.addi %add3A_23, %mul3A_56 : i32
        "tpu.region"() ({
          %run_scoped3A = tpu.sem_alloc : memref<!tpu.dma_semaphore, #tpu.memory_space<semaphore_mem>>
          %dma_start3A = tpu.memref_slice %arg10[%add3A_57] : memref<1445888xf32, #tpu.memory_space<vmem_shared>> -> memref<8192xf32, #tpu.memory_space<vmem_shared>>
          %dma_start3A_58 = tpu.memref_slice %arg10[%add3A_57] : memref<1445888xf32, #tpu.memory_space<vmem_shared>> -> memref<8192xf32, #tpu.memory_space<vmem_shared>>
          tpu.enqueue_dma source(%arg9 : memref<8192xf32, #tpu.memory_space<vmem>>) target(%dma_start3A_58 : memref<8192xf32, #tpu.memory_space<vmem_shared>>) target_semaphore(%run_scoped3A : memref<!tpu.dma_semaphore, #tpu.memory_space<semaphore_mem>>)
          %dma_wait3A = tpu.memref_slice %arg10[%add3A_57] : memref<1445888xf32, #tpu.memory_space<vmem_shared>> -> memref<8192xf32, #tpu.memory_space<vmem_shared>>
          %dma_wait3A_59 = tpu.memref_slice %arg10[%add3A_57] : memref<1445888xf32, #tpu.memory_space<vmem_shared>> -> memref<8192xf32, #tpu.memory_space<vmem_shared>>
          tpu.wait_dma2 semaphore(%run_scoped3A : memref<!tpu.dma_semaphore, #tpu.memory_space<semaphore_mem>>) src(%arg9 : memref<8192xf32, #tpu.memory_space<vmem>>) dst(%dma_wait3A_59 : memref<8192xf32, #tpu.memory_space<vmem_shared>>)
          tpu.yield
        }) : () -> ()
      }
      %while3A_32 = arith.constant 1 : i32
      scf.for %while3A_51 = %while3A_30 to %while3A_26 step %while3A_32  : i32 {
        %mul3A_52 = arith.constant 8192 : i32
        %mul3A_53 = arith.muli %while3A_51, %mul3A_52 : i32
        %add3A_54 = arith.addi %add3A_18, %mul3A_53 : i32
        "tpu.region"() ({
          %run_scoped3A = tpu.sem_alloc : memref<!tpu.dma_semaphore, #tpu.memory_space<semaphore_mem>>
          %dma_start3A = tpu.memref_slice %arg2[%add3A_54] : memref<16777216xf32, #tpu.memory_space<hbm>> -> memref<8192xf32, #tpu.memory_space<hbm>>
          %dma_start3A_58 = tpu.memref_slice %arg2[%add3A_54] : memref<16777216xf32, #tpu.memory_space<hbm>> -> memref<8192xf32, #tpu.memory_space<hbm>>
          tpu.enqueue_dma source(%dma_start3A_58 : memref<8192xf32, #tpu.memory_space<hbm>>) target(%arg9 : memref<8192xf32, #tpu.memory_space<vmem>>) target_semaphore(%run_scoped3A : memref<!tpu.dma_semaphore, #tpu.memory_space<semaphore_mem>>)
          %dma_wait3A = tpu.memref_slice %arg2[%add3A_54] : memref<16777216xf32, #tpu.memory_space<hbm>> -> memref<8192xf32, #tpu.memory_space<hbm>>
          %dma_wait3A_59 = tpu.memref_slice %arg2[%add3A_54] : memref<16777216xf32, #tpu.memory_space<hbm>> -> memref<8192xf32, #tpu.memory_space<hbm>>
          tpu.wait_dma2 semaphore(%run_scoped3A : memref<!tpu.dma_semaphore, #tpu.memory_space<semaphore_mem>>) src(%dma_wait3A_59 : memref<8192xf32, #tpu.memory_space<hbm>>) dst(%arg9 : memref<8192xf32, #tpu.memory_space<vmem>>)
          tpu.yield
        }) : () -> ()
        %mul3A_55 = arith.constant 8192 : i32
        %mul3A_56 = arith.muli %while3A_51, %mul3A_55 : i32
        %add3A_57 = arith.addi %add3A_23, %mul3A_56 : i32
        "tpu.region"() ({
          %run_scoped3A = tpu.sem_alloc : memref<!tpu.dma_semaphore, #tpu.memory_space<semaphore_mem>>
          %dma_start3A = tpu.memref_slice %arg10[%add3A_57] : memref<1445888xf32, #tpu.memory_space<vmem_shared>> -> memref<8192xf32, #tpu.memory_space<vmem_shared>>
          %dma_start3A_58 = tpu.memref_slice %arg10[%add3A_57] : memref<1445888xf32, #tpu.memory_space<vmem_shared>> -> memref<8192xf32, #tpu.memory_space<vmem_shared>>
          tpu.enqueue_dma source(%arg9 : memref<8192xf32, #tpu.memory_space<vmem>>) target(%dma_start3A_58 : memref<8192xf32, #tpu.memory_space<vmem_shared>>) target_semaphore(%run_scoped3A : memref<!tpu.dma_semaphore, #tpu.memory_space<semaphore_mem>>)
          %dma_wait3A = tpu.memref_slice %arg10[%add3A_57] : memref<1445888xf32, #tpu.memory_space<vmem_shared>> -> memref<8192xf32, #tpu.memory_space<vmem_shared>>
          %dma_wait3A_59 = tpu.memref_slice %arg10[%add3A_57] : memref<1445888xf32, #tpu.memory_space<vmem_shared>> -> memref<8192xf32, #tpu.memory_space<vmem_shared>>
          tpu.wait_dma2 semaphore(%run_scoped3A : memref<!tpu.dma_semaphore, #tpu.memory_space<semaphore_mem>>) src(%arg9 : memref<8192xf32, #tpu.memory_space<vmem>>) dst(%dma_wait3A_59 : memref<8192xf32, #tpu.memory_space<vmem_shared>>)
          tpu.yield
        }) : () -> ()
      }
      %barrier3A = arith.constant 0 : index
      tpu.barrier barrier_id(%barrier3A)
      %scan3A_33 = arith.constant 0 : i32
      %scan3A_34 = arith.constant 0 : i32
      %scan3A_35 = arith.constant 12 : i32
      %scan3A_36 = arith.addi %scan3A_34, %scan3A_35 : i32
      %scan3A_37 = arith.constant 1 : i32
      scf.for %scan3A_51 = %scan3A_34 to %scan3A_36 step %scan3A_37  : i32 {
        %mul3A_52 = arith.constant 94464 : i32
        %mul3A_53 = arith.muli %arg1, %mul3A_52 : i32
        %mul3A_54 = arith.constant 7872 : i32
        %mul3A_55 = arith.muli %scan3A_51, %mul3A_54 : i32
        %add3A_56 = arith.addi %mul3A_53, %mul3A_55 : i32
        "tpu.region"() ({
          %run_scoped3A = tpu.sem_alloc : memref<!tpu.dma_semaphore, #tpu.memory_space<semaphore_mem>>
          %dma_start3A = tpu.memref_slice %arg3[%add3A_56] : memref<1511424xi32, #tpu.memory_space<hbm>> -> memref<7872xi32, #tpu.memory_space<hbm>>
          %dma_start3A_65 = tpu.memref_slice %arg3[%add3A_56] : memref<1511424xi32, #tpu.memory_space<hbm>> -> memref<7872xi32, #tpu.memory_space<hbm>>
          tpu.enqueue_dma source(%dma_start3A_65 : memref<7872xi32, #tpu.memory_space<hbm>>) target(%arg6 : memref<7872xi32, #tpu.memory_space<vmem>>) target_semaphore(%run_scoped3A : memref<!tpu.dma_semaphore, #tpu.memory_space<semaphore_mem>>)
          %dma_wait3A = tpu.memref_slice %arg3[%add3A_56] : memref<1511424xi32, #tpu.memory_space<hbm>> -> memref<7872xi32, #tpu.memory_space<hbm>>
          %dma_wait3A_66 = tpu.memref_slice %arg3[%add3A_56] : memref<1511424xi32, #tpu.memory_space<hbm>> -> memref<7872xi32, #tpu.memory_space<hbm>>
          tpu.wait_dma2 semaphore(%run_scoped3A : memref<!tpu.dma_semaphore, #tpu.memory_space<semaphore_mem>>) src(%dma_wait3A_66 : memref<7872xi32, #tpu.memory_space<hbm>>) dst(%arg6 : memref<7872xi32, #tpu.memory_space<vmem>>)
          tpu.yield
        }) : () -> ()
        "tpu.region"() ({
          %run_scoped3A = tpu.sem_alloc : memref<!tpu.dma_semaphore, #tpu.memory_space<semaphore_mem>>
          %dma_start3A = tpu.memref_slice %arg4[%add3A_56] : memref<1511424xf32, #tpu.memory_space<hbm>> -> memref<7872xf32, #tpu.memory_space<hbm>>
          %dma_start3A_65 = tpu.memref_slice %arg4[%add3A_56] : memref<1511424xf32, #tpu.memory_space<hbm>> -> memref<7872xf32, #tpu.memory_space<hbm>>
          tpu.enqueue_dma source(%dma_start3A_65 : memref<7872xf32, #tpu.memory_space<hbm>>) target(%arg7 : memref<7872xf32, #tpu.memory_space<vmem>>) target_semaphore(%run_scoped3A : memref<!tpu.dma_semaphore, #tpu.memory_space<semaphore_mem>>)
          %dma_wait3A = tpu.memref_slice %arg4[%add3A_56] : memref<1511424xf32, #tpu.memory_space<hbm>> -> memref<7872xf32, #tpu.memory_space<hbm>>
          %dma_wait3A_66 = tpu.memref_slice %arg4[%add3A_56] : memref<1511424xf32, #tpu.memory_space<hbm>> -> memref<7872xf32, #tpu.memory_space<hbm>>
          tpu.wait_dma2 semaphore(%run_scoped3A : memref<!tpu.dma_semaphore, #tpu.memory_space<semaphore_mem>>) src(%dma_wait3A_66 : memref<7872xf32, #tpu.memory_space<hbm>>) dst(%arg7 : memref<7872xf32, #tpu.memory_space<vmem>>)
          tpu.yield
        }) : () -> ()
        %add3A_57 = arith.constant 2048 : i32
        %add3A_58 = arith.addi %mul3A_10, %add3A_57 : i32
        %scan3A_59 = arith.constant 0 : i32
        %scan3A_60 = arith.constant 0 : i32
        %scan3A_61 = arith.constant 492 : i32
        %scan3A_62 = arith.addi %scan3A_60, %scan3A_61 : i32
        %scan3A_63 = arith.constant 1 : i32
        scf.for %scan3A_65 = %scan3A_60 to %scan3A_62 step %scan3A_63  : i32 {
          %mul3A_66 = arith.constant 16 : i32
          %mul3A_67 = arith.muli %scan3A_65, %mul3A_66 : i32
          %get3A = arith.index_cast %mul3A_67 : i32 to index
          %get3A_68 = tpu.vector_load %arg6[%get3A] {strides = array<i32>} : memref<7872xi32, #tpu.memory_space<vmem>>, vector<16xi32>,
          %get3A_69 = vector.shape_cast %get3A_68 : vector<16xi32> to vector<16xi32>
          %sub3A_70 = arith.constant 2048 : i32
          %sub3A_71 = arith.subi %add3A, %sub3A_70 : i32
          %sub3A_72 = vector.broadcast %sub3A_71 : i32 to vector<16xi32>
          %sub3A_73 = arith.subi %get3A_69, %sub3A_72 : vector<16xi32>
          %and3A = arith.constant 2047 : i32
          %and3A_74 = vector.broadcast %and3A : i32 to vector<16xi32>
          %and3A_75 = arith.andi %get3A_69, %and3A_74 : vector<16xi32>
          %max3A = arith.maxsi %sub3A_73, %and3A_75 : vector<16xi32>
          %add3A_76 = vector.broadcast %add3A_58 : i32 to vector<16xi32>
          %add3A_77 = arith.addi %and3A_75, %add3A_76 : vector<16xi32>
          %min3A_78 = arith.minsi %max3A, %add3A_77 : vector<16xi32>
          %mul3A_79 = arith.constant 16 : i32
          %mul3A_80 = arith.muli %scan3A_65, %mul3A_79 : i32
          %swap3A = arith.index_cast %mul3A_80 : i32 to index
          %swap3A_81 = tpu.vector_load %arg8[%swap3A] {strides = array<i32>} : memref<7872xi32, #tpu.memory_space<vmem>>, vector<16xi32>,
          %swap3A_82 = vector.shape_cast %swap3A_81 : vector<16xi32> to vector<16xi32>
          %swap3A_83 = vector.shape_cast %min3A_78 : vector<16xi32> to vector<16xi32>
          tpu.vector_store %arg8[%swap3A], %swap3A_83 {strides = array<i32>} : memref<7872xi32, #tpu.memory_space<vmem>>, vector<16xi32>,
        }
        %scan3A_64 = arith.constant 492 : i32
        "tpu.region"() ({
          %run_scoped3A = tpu.sem_alloc : memref<!tpu.dma_semaphore, #tpu.memory_space<semaphore_mem>>
          %dma_start3A = arith.constant 0 : i32
          %dma_start3A_65 = tpu.memref_slice %arg10[%dma_start3A] : memref<1445888xf32, #tpu.memory_space<vmem_shared>> -> memref<1445888xf32, #tpu.memory_space<vmem_shared>>
          tpu.enqueue_indirect_dma source(%arg7 : memref<7872xf32, #tpu.memory_space<vmem>>) target(%dma_start3A_65 : memref<1445888xf32, #tpu.memory_space<vmem_shared>>) offsets(%arg8 : memref<7872xi32, #tpu.memory_space<vmem>>) semaphore(%run_scoped3A : memref<!tpu.dma_semaphore, #tpu.memory_space<semaphore_mem>>) {add = true}
          %dma_wait3A = arith.constant 0 : i32
          %dma_wait3A_66 = tpu.memref_slice %arg10[%dma_wait3A] : memref<1445888xf32, #tpu.memory_space<vmem_shared>> -> memref<1445888xf32, #tpu.memory_space<vmem_shared>>
          tpu.wait_indirect_dma semaphore(%run_scoped3A : memref<!tpu.dma_semaphore, #tpu.memory_space<semaphore_mem>>) src(%arg7 : memref<7872xf32, #tpu.memory_space<vmem>>) dst(%dma_wait3A_66 : memref<1445888xf32, #tpu.memory_space<vmem_shared>>)
          tpu.yield
        }) : () -> ()
      }
      %scan3A_38 = arith.constant 12 : i32
      %barrier3A_39 = arith.constant 0 : index
      tpu.barrier barrier_id(%barrier3A_39)
      %while3A_40 = arith.constant 0 : i32
      %while3A_41 = arith.constant 0 : i32
      %while3A_42 = arith.subi %min3A_8, %while3A_41 : i32
      %while3A_43 = arith.addi %while3A_41, %while3A_42 : i32
      %while3A_44 = arith.constant 1 : i32
      %while3A_45 = arith.divsi %while3A_42, %while3A_44 : i32
      %while3A_46 = arith.muli %while3A_45, %while3A_44 : i32
      %while3A_47 = arith.addi %while3A_41, %while3A_46 : i32
      %while3A_48 = arith.constant 1 : i32
      scf.for %while3A_51 = %while3A_41 to %while3A_47 step %while3A_48  : i32 {
        %mul3A_52 = arith.constant 8192 : i32
        %mul3A_53 = arith.muli %while3A_51, %mul3A_52 : i32
        %add3A_54 = arith.addi %add3A_23, %mul3A_53 : i32
        "tpu.region"() ({
          %run_scoped3A = tpu.sem_alloc : memref<!tpu.dma_semaphore, #tpu.memory_space<semaphore_mem>>
          %dma_start3A = tpu.memref_slice %arg10[%add3A_54] : memref<1445888xf32, #tpu.memory_space<vmem_shared>> -> memref<8192xf32, #tpu.memory_space<vmem_shared>>
          %dma_start3A_58 = tpu.memref_slice %arg10[%add3A_54] : memref<1445888xf32, #tpu.memory_space<vmem_shared>> -> memref<8192xf32, #tpu.memory_space<vmem_shared>>
          tpu.enqueue_dma source(%dma_start3A_58 : memref<8192xf32, #tpu.memory_space<vmem_shared>>) target(%arg9 : memref<8192xf32, #tpu.memory_space<vmem>>) target_semaphore(%run_scoped3A : memref<!tpu.dma_semaphore, #tpu.memory_space<semaphore_mem>>)
          %dma_wait3A = tpu.memref_slice %arg10[%add3A_54] : memref<1445888xf32, #tpu.memory_space<vmem_shared>> -> memref<8192xf32, #tpu.memory_space<vmem_shared>>
          %dma_wait3A_59 = tpu.memref_slice %arg10[%add3A_54] : memref<1445888xf32, #tpu.memory_space<vmem_shared>> -> memref<8192xf32, #tpu.memory_space<vmem_shared>>
          tpu.wait_dma2 semaphore(%run_scoped3A : memref<!tpu.dma_semaphore, #tpu.memory_space<semaphore_mem>>) src(%dma_wait3A_59 : memref<8192xf32, #tpu.memory_space<vmem_shared>>) dst(%arg9 : memref<8192xf32, #tpu.memory_space<vmem>>)
          tpu.yield
        }) : () -> ()
        %mul3A_55 = arith.constant 8192 : i32
        %mul3A_56 = arith.muli %while3A_51, %mul3A_55 : i32
        %add3A_57 = arith.addi %add3A_18, %mul3A_56 : i32
        "tpu.region"() ({
          %run_scoped3A = tpu.sem_alloc : memref<!tpu.dma_semaphore, #tpu.memory_space<semaphore_mem>>
          %dma_start3A = tpu.memref_slice %arg5[%add3A_57] : memref<16777216xf32, #tpu.memory_space<hbm>> -> memref<8192xf32, #tpu.memory_space<hbm>>
          %dma_start3A_58 = tpu.memref_slice %arg5[%add3A_57] : memref<16777216xf32, #tpu.memory_space<hbm>> -> memref<8192xf32, #tpu.memory_space<hbm>>
          tpu.enqueue_dma source(%arg9 : memref<8192xf32, #tpu.memory_space<vmem>>) target(%dma_start3A_58 : memref<8192xf32, #tpu.memory_space<hbm>>) target_semaphore(%run_scoped3A : memref<!tpu.dma_semaphore, #tpu.memory_space<semaphore_mem>>)
          %dma_wait3A = tpu.memref_slice %arg5[%add3A_57] : memref<16777216xf32, #tpu.memory_space<hbm>> -> memref<8192xf32, #tpu.memory_space<hbm>>
          %dma_wait3A_59 = tpu.memref_slice %arg5[%add3A_57] : memref<16777216xf32, #tpu.memory_space<hbm>> -> memref<8192xf32, #tpu.memory_space<hbm>>
          tpu.wait_dma2 semaphore(%run_scoped3A : memref<!tpu.dma_semaphore, #tpu.memory_space<semaphore_mem>>) src(%arg9 : memref<8192xf32, #tpu.memory_space<vmem>>) dst(%dma_wait3A_59 : memref<8192xf32, #tpu.memory_space<hbm>>)
          tpu.yield
        }) : () -> ()
      }
      %while3A_49 = arith.constant 1 : i32
      scf.for %while3A_51 = %while3A_47 to %while3A_43 step %while3A_49  : i32 {
        %mul3A_52 = arith.constant 8192 : i32
        %mul3A_53 = arith.muli %while3A_51, %mul3A_52 : i32
        %add3A_54 = arith.addi %add3A_23, %mul3A_53 : i32
        "tpu.region"() ({
          %run_scoped3A = tpu.sem_alloc : memref<!tpu.dma_semaphore, #tpu.memory_space<semaphore_mem>>
          %dma_start3A = tpu.memref_slice %arg10[%add3A_54] : memref<1445888xf32, #tpu.memory_space<vmem_shared>> -> memref<8192xf32, #tpu.memory_space<vmem_shared>>
          %dma_start3A_58 = tpu.memref_slice %arg10[%add3A_54] : memref<1445888xf32, #tpu.memory_space<vmem_shared>> -> memref<8192xf32, #tpu.memory_space<vmem_shared>>
          tpu.enqueue_dma source(%dma_start3A_58 : memref<8192xf32, #tpu.memory_space<vmem_shared>>) target(%arg9 : memref<8192xf32, #tpu.memory_space<vmem>>) target_semaphore(%run_scoped3A : memref<!tpu.dma_semaphore, #tpu.memory_space<semaphore_mem>>)
          %dma_wait3A = tpu.memref_slice %arg10[%add3A_54] : memref<1445888xf32, #tpu.memory_space<vmem_shared>> -> memref<8192xf32, #tpu.memory_space<vmem_shared>>
          %dma_wait3A_59 = tpu.memref_slice %arg10[%add3A_54] : memref<1445888xf32, #tpu.memory_space<vmem_shared>> -> memref<8192xf32, #tpu.memory_space<vmem_shared>>
          tpu.wait_dma2 semaphore(%run_scoped3A : memref<!tpu.dma_semaphore, #tpu.memory_space<semaphore_mem>>) src(%dma_wait3A_59 : memref<8192xf32, #tpu.memory_space<vmem_shared>>) dst(%arg9 : memref<8192xf32, #tpu.memory_space<vmem>>)
          tpu.yield
        }) : () -> ()
        %mul3A_55 = arith.constant 8192 : i32
        %mul3A_56 = arith.muli %while3A_51, %mul3A_55 : i32
        %add3A_57 = arith.addi %add3A_18, %mul3A_56 : i32
        "tpu.region"() ({
          %run_scoped3A = tpu.sem_alloc : memref<!tpu.dma_semaphore, #tpu.memory_space<semaphore_mem>>
          %dma_start3A = tpu.memref_slice %arg5[%add3A_57] : memref<16777216xf32, #tpu.memory_space<hbm>> -> memref<8192xf32, #tpu.memory_space<hbm>>
          %dma_start3A_58 = tpu.memref_slice %arg5[%add3A_57] : memref<16777216xf32, #tpu.memory_space<hbm>> -> memref<8192xf32, #tpu.memory_space<hbm>>
          tpu.enqueue_dma source(%arg9 : memref<8192xf32, #tpu.memory_space<vmem>>) target(%dma_start3A_58 : memref<8192xf32, #tpu.memory_space<hbm>>) target_semaphore(%run_scoped3A : memref<!tpu.dma_semaphore, #tpu.memory_space<semaphore_mem>>)
          %dma_wait3A = tpu.memref_slice %arg5[%add3A_57] : memref<16777216xf32, #tpu.memory_space<hbm>> -> memref<8192xf32, #tpu.memory_space<hbm>>
          %dma_wait3A_59 = tpu.memref_slice %arg5[%add3A_57] : memref<16777216xf32, #tpu.memory_space<hbm>> -> memref<8192xf32, #tpu.memory_space<hbm>>
          tpu.wait_dma2 semaphore(%run_scoped3A : memref<!tpu.dma_semaphore, #tpu.memory_space<semaphore_mem>>) src(%arg9 : memref<8192xf32, #tpu.memory_space<vmem>>) dst(%dma_wait3A_59 : memref<8192xf32, #tpu.memory_space<hbm>>)
          tpu.yield
        }) : () -> ()
      }
      %barrier3A_50 = arith.constant 0 : index
      tpu.barrier barrier_id(%barrier3A_50)
    }
    %scan3A_4 = arith.constant 6 : i32
    return
  }
}

module attributes {stable_mosaic.version = 14 : i64} {
  func.func @_mm_body(%arg0: i32, %arg1: memref<256x4096xf32, #tpu.memory_space<vmem>>, %arg2: memref<2097152xf32, #tpu.memory_space<vmem>>, %arg3: memref<512xf32, #tpu.memory_space<vmem>>, %arg4: memref<256x512xf32, #tpu.memory_space<vmem>>) attributes {dimension_semantics = [#tpu.dimension_semantics<arbitrary>], iteration_bounds = array<i64: 8>, scalar_prefetch = 0 : i64, scratch_operands = 0 : i64, tpu.core_type = #tpu.core_type<tc>, window_params = [{pipeline_mode = #tpu.pipeline_mode<synchronous>, transform_indices = @transform_0, window_bounds = array<i64: 256, 4096>}, {transform_indices = @transform_1, window_bounds = array<i64: 2097152>}, {transform_indices = @transform_2, window_bounds = array<i64: 512>}, {transform_indices = @transform_3, window_bounds = array<i64: 256, 512>}]} {
    %get3A = arith.constant 0 : index
    %get3A_0 = vector.load %arg2[%get3A] : memref<2097152xf32, #tpu.memory_space<vmem>>, vector<2097152xf32>
    %reshape3A = vector.shape_cast %get3A_0 : vector<2097152xf32> to vector<512x4096xf32>
    %get3A_1 = arith.constant 0 : index
    %get3A_2 = arith.constant 0 : index
    %get3A_3 = vector.load %arg1[%get3A_1, %get3A_2] : memref<256x4096xf32, #tpu.memory_space<vmem>>, vector<256x4096xf32>
    %dot_general3A = arith.constant dense<0.000000e+00> : vector<256x512xf32>
    %dot_general3A_4 = tpu.matmul %get3A_3, %reshape3A, %dot_general3A {dimension_numbers = #tpu.dot_dimension_numbers<[1], [1], [0], [0], [0, 0, 1, 0], [], []>, transpose_lhs_hint = false} : vector<256x4096xf32>, vector<512x4096xf32>, vector<256x512xf32> -> vector<256x512xf32>
    %get3A_5 = arith.constant 0 : index
    %get3A_6 = vector.load %arg3[%get3A_5] : memref<512xf32, #tpu.memory_space<vmem>>, vector<512xf32>
    %broadcast_in_dim3A = vector.shape_cast %get3A_6 : vector<512xf32> to vector<1x512xf32>
    %add3A = vector.broadcast %broadcast_in_dim3A : vector<1x512xf32> to vector<256x512xf32>
    %add3A_7 = arith.addf %dot_general3A_4, %add3A : vector<256x512xf32>
    %swap3A = arith.constant 0 : index
    %swap3A_8 = arith.constant 0 : index
    %swap3A_9 = vector.load %arg4[%swap3A, %swap3A_8] : memref<256x512xf32, #tpu.memory_space<vmem>>, vector<256x512xf32>
    tpu.vector_store %arg4[%swap3A, %swap3A_8], %add3A_7 {strides = array<i32>} : memref<256x512xf32, #tpu.memory_space<vmem>>, vector<256x512xf32>,
    return
  }
  func.func @transform_0(%arg0: i32) -> (i32, i32) {
    %c0_i32 = arith.constant 0 : i32
    %c0_i32_0 = arith.constant 0 : i32
    %c0_i32_1 = arith.constant 0 : i32
    return %c0_i32, %c0_i32_0 : i32, i32
  }
  func.func @transform_1(%arg0: i32) -> i32 {
    %c0_i32 = arith.constant 0 : i32
    return %arg0 : i32
  }
  func.func @transform_2(%arg0: i32) -> i32 {
    %c0_i32 = arith.constant 0 : i32
    return %arg0 : i32
  }
  func.func @transform_3(%arg0: i32) -> (i32, i32) {
    %c0_i32 = arith.constant 0 : i32
    %c0_i32_0 = arith.constant 0 : i32
    return %c0_i32, %arg0 : i32, i32
  }
}

</mosaic_0001>

<sc_bundles>
// kernel: kernel.4.cloned.1.call-start
scs
__scs_entry_jumppad:
0x0: {  	(pc) =	sbr.rel $0x88, $3  }
0x1: {  	(tag) =	ssettag $0x0;
	lr =	simm.s32 $0x1  }
0x2: {  	[smem:$0x3F9C] =	sst lr;
	_ =	strace $0xD0000000  }
0x3: {  	_ = 	snop  }
0x4: {  	_ = 	snop  }
0x5: {  	_ = 	snop  }
0x6: {  	_ = 	snop  }
0x7: {  	_ = 	snop  }
__scs_overlays_trampoline_lowered:
0x8: {  	[smem:$0x3FAB] =	sst s0  }
0x9: {  	[smem:$0x3FAC] =	sst s1  }
0xa: {  	[smem:$0x3FAD] =	sst s2  }
0xb: {  	[smem:$0x3FAE] =	sst s3  }
0xc: {  	[smem:$0x3FAF] =	sst s4  }
0xd: {  	[smem:$0x3FB0] =	sst s5  }
0xe: {  	[smem:$0x3FB1] =	sst s6  }
0xf: {  	[smem:$0x3FB2] =	sst s7  }
0x10: {  	[smem:$0x3FB3] =	sst s8  }
0x11: {  	[smem:$0x3FB4] =	sst s9;
	s0 =	simm.s32 @!p0 $0x0  }
0x12: {  	s1 =	sld [smem:$0x3F9A];
	s0 =	simm.s32 @p0 $0x1  }
0x13: {  	[smem:$0x3FB5] =	sst s0;
	s0 =	simm.s32 @!p1 $0x0  }
0x14: {  	s2 =	sld [smem:$0x3F99];
	s0 =	simm.s32 @p1 $0x1  }
0x15: {  	[smem:$0x3FB6] =	sst s0;
	s0 =	simm.s32 @!p2 $0x0  }
0x16: {  	s3 =	sld [smem:$0x3FDB];
	s0 =	simm.s32 @p2 $0x1  }
0x17: {  	s4 =	simm.s32 $0x1BF5;
	[smem:$0x3FB8] =	sst s0  }
0x18: {  	s0 =	sld [smem:$0x3F9B];
	_ =	swait.ge [sflag:s4], $0x0  }
0x19: {  	s7 =	sld [smem:$0x3F9C]  }
0x1a: {  	s8 =	sadd.s32 $0xFFFFE003, lr  }
0x1b: {  	s9 =	sadd.s32 $0xFFFFFEF7, lr;
	s5 =	simm.s32 $0xFFFFFFFF;
	p2 =	slt.u32 s8, $0xFFFFF086  }
0x1c: {  	p1 =	slt.u32 s9, $0xF7A;
	s5 =	simm.s32 @!p2 $0x0  }
0x1d: {  	s5 =	simm.s32 @p1 $0x1;
	p0 =	seq.s32 s7, s2  }
0x1e: {  	s7 =	smul.u32 @!p0 $0xF7A, s2;
	p2 =	seq.s32 @!p0 s5, $0x0  }
0x1f: {  	s9 =	smul.u32 $0xF7A, s1;
	s8 =	simm.s32 @!p0 $0x1BF5;
	p2 =	por !p2, p0  }
0x20: {  	[sflag:s8] =	ssyncset.s32 @!p0 $0xFFFFF086;
	s6 =	sadd.s32 @!p0 s3, s7;
	s7 =	simm.s32 @!p0 $0x108  }
0x21: {  	s3 =	sadd.s32 s3, s9;
	s6 =	sadd.s32 @!p0 $0x88, s6;
	s7 =	simm.s32 @p2 $0x1082  }
0x22: {  	[simem:s7], [sflag:s8] =	dma.local @!p0 [hbm:s6], $0xF7A  }
0x23: {  	s9 =	sor.u32 $0xD0000000, s2;
	s6 =	simm.s32 $0x108;
	_ =	swait.ge @!p0 [sflag:s8], $0x0  }
0x24: {  	s3 =	sadd.s32 $0x88, s3;
	s6 =	simm.s32 @!p1 $0x1082;
	[sflag:s4] =	ssyncset.s32 $0xFFFFF086  }
0x25: {  	[simem:s6], [sflag:s4] =	dma.local [hbm:s3], $0xF7A  }
0x26: {  	[smem:$0x3F9C] =	sst s1;
	(tag) =	ssettag s2;
	_ =	strace s9  }
0x27: {  	s1 =	sld [smem:$0x3FAC]  }
0x28: {  	s2 =	sld [smem:$0x3FAD]  }
0x29: {  	s4 =	sld [smem:$0x3FAF]  }
0x2a: {  	p0 =	seq.s32 s5, $0x0;
	s5 =	sld [smem:$0x3FB0]  }
0x2b: {  	s6 =	sld [smem:$0x3FB1]  }
0x2c: {  	s7 =	sld [smem:$0x3FB2]  }
0x2d: {  	s3 =	simm.s32 $0x108;
	s8 =	sld [smem:$0x3FB3]  }
0x2e: {  	s3 =	simm.s32 @!p0 $0x1082;
	s9 =	sld [smem:$0x3FB4]  }
0x2f: {  	lr =	sadd.s32 s0, s3;
	s0 =	sld [smem:$0x3FAB]  }
0x30: {  	s3 =	sld [smem:$0x3FAE]  }
0x31: {  	[smem:$0x3FB7] =	sst s10  }
0x32: {  	s10 =	sld [smem:$0x3FB5];
	_ =	sdelay $0x3  }
0x33: {  	p0 =	seq.s32 s10, $0x1;
	s10 =	sld [smem:$0x3FB7];
	_ =	sdelay $0x3  }
0x34: {  	[smem:$0x3FB7] =	sst s10  }
0x35: {  	s10 =	sld [smem:$0x3FB6];
	_ =	sdelay $0x3  }
0x36: {  	p1 =	seq.s32 s10, $0x1;
	s10 =	sld [smem:$0x3FB7];
	_ =	sdelay $0x3  }
0x37: {  	[smem:$0x3FB7] =	sst s10  }
0x38: {  	s10 =	sld [smem:$0x3FB8]  }
0x39: {  	_ = 	snop;
	(pc) =	sbr.ind lr, $3  }
0x3a: {  	_ = 	snop  }
0x3b: {  	_ = 	snop  }
0x3c: {  	p2 =	seq.s32 s10, $0x1;
	s10 =	sld [smem:$0x3FB7]  }
0x3d: {  	_ =	shalt  }
0x3e: {  	_ =	shalt  }
0x3f: {  	_ =	shalt  }
0x40: {  	_ =	shalt  }
0x41: {  	_ =	shalt  }
0x42: {  	_ =	shalt  }
0x43: {  	_ =	shalt  }
0x44: {  	_ =	shalt  }
0x45: {  	_ =	shalt  }
0x46: {  	_ =	shalt  }
0x47: {  	_ =	shalt  }
0x48: {  	_ =	shalt  }
0x49: {  	_ =	shalt  }
0x4a: {  	_ =	shalt  }
0x4b: {  	_ =	shalt  }
0x4c: {  	_ =	shalt  }
0x4d: {  	_ =	shalt  }
0x4e: {  	_ =	shalt  }
0x4f: {  	_ =	shalt  }
0x50: {  	_ =	shalt  }
0x51: {  	_ =	shalt  }
0x52: {  	_ =	shalt  }
0x53: {  	_ =	shalt  }
0x54: {  	_ =	shalt  }
0x55: {  	_ =	shalt  }
0x56: {  	_ =	shalt  }
0x57: {  	_ =	shalt  }
0x58: {  	_ =	shalt  }
0x59: {  	_ =	shalt  }
0x5a: {  	_ =	shalt  }
0x5b: {  	_ =	shalt  }
0x5c: {  	_ =	shalt  }
0x5d: {  	_ =	shalt  }
0x5e: {  	_ =	shalt  }
0x5f: {  	_ =	shalt  }
0x60: {  	_ =	shalt  }
0x61: {  	_ =	shalt  }
0x62: {  	_ =	shalt  }
0x63: {  	_ =	shalt  }
0x64: {  	_ =	shalt  }
0x65: {  	_ =	shalt  }
0x66: {  	_ =	shalt  }
0x67: {  	_ =	shalt  }
0x68: {  	_ =	shalt  }
0x69: {  	_ =	shalt  }
0x6a: {  	_ =	shalt  }
0x6b: {  	_ =	shalt  }
0x6c: {  	_ =	shalt  }
0x6d: {  	_ =	shalt  }
0x6e: {  	_ =	shalt  }
0x6f: {  	_ =	shalt  }
0x70: {  	_ =	shalt  }
0x71: {  	_ =	shalt  }
0x72: {  	_ =	shalt  }
0x73: {  	_ =	shalt  }
0x74: {  	_ =	shalt  }
0x75: {  	_ =	shalt  }
0x76: {  	_ =	shalt  }
0x77: {  	_ =	shalt  }
0x78: {  	_ =	shalt  }
0x79: {  	_ =	shalt  }
0x7a: {  	_ =	shalt  }
0x7b: {  	_ =	shalt  }
0x7c: {  	_ =	shalt  }
0x7d: {  	_ =	shalt  }
0x7e: {  	_ =	shalt  }
0x7f: {  	_ =	shalt  }
0x80: {  	_ =	shalt  }
0x81: {  	_ =	shalt  }
0x82: {  	_ =	shalt  }
0x83: {  	_ =	shalt  }
0x84: {  	_ =	shalt  }
0x85: {  	_ =	shalt  }
0x86: {  	_ =	shalt  }
0x87: {  	_ =	shalt  }
.Lfunc_end0:
.L_simem_size_0:
called_computation_lowered:
.L_overlay_start_0:
0x88: {  	s2 =	sld [smem:$0x3FD9]  }
0x89: {  	s3 =	sld [smem:$0x3FFE];
	_ =	sdelay $0x1  }
0x8a: {  	s1 =	srdreg.scid  }
0x8b: {  	s0 =	sand.u32 $0x1, s1  }
0x8c: {  	s17 =	sshll.u32 s0, $0xA;
	s2 =	sadd.s32 s3, s2  }
0x8d: {  	s2 =	sadd.s32 s2, s17  }
0x8e: {  	[smem:$0x3FC3] =	sst s2  }
0x8f: {  	_ = 	snop  }
0x90: {  	s2 =	sld [smem:$0x3FC8];
	(tm) =	ssettm $0x1  }
0x91: {  	s18 =	sld [smem:$0x3FFB];
	_ =	sdelay $0x3  }
0x92: {  	_ =	strace s18  }
0x93: {  	s3 =	sld [smem:$0x3FFC];
	_ =	sdelay $0x3  }
0x94: {  	_ =	strace s3  }
0x95: {  	s3 =	sld [smem:$0x3FFD];
	_ =	sdelay $0x3  }
0x96: {  	_ =	strace s3  }
0x97: {  	_ =	strace $0x8FFFFFFF  }
0x98: {  	s19 =	sld [smem:$0x3FDB];
	_ =	sdelay $0x1  }
0x99: {  	s4 =	simm.s32 $_scs_section_size  }
0x9a: {  	s5 =	simm.s32 $_size__tile_overlayer_lowered;
	s6 =	simm.s32 $_tile_overlayer_lowered  }
0x9b: {  	s22 =	simm.s32 $0x1BFF;
	s21 =	sshll.u32 s6, $0x1;
	s3 =	sadd.s32 s4, s19  }
0x9c: {  	s7 =	simm.s32 $0x0;
	s20 =	sshll.u32 s5, $0x1;
	s5 =	sadd.s32 s21, s3  }
0x9d: {  	[timem:s7], [sflag:s22] =	dma.local [hbm:s5], s20  }
0x9e: {  	_ =	swait.ge [sflag:s22], s20  }
0x9f: {  	s4 =	ssub.s32 $0x0, s20;
	[sflag:s22] =	ssyncset.done $0x0  }
0xa0: {  	[sflag:s22] =	ssyncadd.s32 s4;
	_ =	sdelay $0x1  }
0xa1: {  	s23 =	simm.s32 $0x1B8B  }
0xa2: {  	_ =	swait.ge [sflag:s23], $0x1  }
0xa3: {  	[sflag:s23] =	ssyncset.done $0x0  }
0xa4: {  	s25 =	simm.s32 $0x1B8E;
	s24 =	sld [smem:$0x3FFE];
	[sflag:s23] =	ssyncadd.s32 $0xFFFFFFFF  }
0xa5: {  	s26 =	simm.s32 $execute0_lowered;
	[smem:$0x3FD2] =	sst s25  }
0xa6: {  	s5 =	sshll.u32 s26, $0x1;
	_ =	strace $0x80000046;
	[dreg:$0x1] =	wrdreg $0xFFFFFFFF  }
0xa7: {  	s28 =	simm.s32 $_size_execute0_lowered;
	s3 =	sadd.s32 s3, s5;
	[dreg:$0x0] =	wrdreg $0x0  }
0xa8: {  	s5 =	sshll.u32 s28, $0x1;
	[dreg:$0x2] =	wrdreg s3  }
0xa9: {  	[dreg:$0x3] =	wrdreg s5  }
0xaa: {  	[dreg:$0x4] =	wrdreg $0xC0  }
0xab: {  	_ =	task [dreg:s7], $0x5FFFF  }
0xac: {  	[dreg:$0x1] =	wrdreg $0xFFFFFFFF  }
0xad: {  	[dreg:$0x0] =	wrdreg $0x60  }
0xae: {  	[dreg:$0x2] =	wrdreg s2  }
0xaf: {  	[dreg:$0x3] =	wrdreg s24  }
0xb0: {  	[dreg:$0x4] =	wrdreg $0x7D000  }
0xb1: {  	[dreg:$0x5] =	wrdreg $0x9  }
0xb2: {  	_ =	task.clear_ibuf [dreg:s7], $0x6FFFF;
	_ =	strace $0x90000046  }
0xb3: {  	s29 =	simm.s32 $0x9;
	_ =	strace $0x80000048  }
0xb4: {  	_ =	swait.ge [sflag:s29], $0x1  }
0xb5: {  	[sflag:s29] =	ssyncadd.s32 $0xFFFFFFFF  }
0xb6: {  	_ =	strace $0x90000048  }
0xb7: {  	_ =	sfence  }
0xb8: {  	s30 =	sld [smem:$0x0];
	_ =	sdelay $0x2  }
0xb9: {  	s31 =	sshll.u32 s1, $0xD;
	s1 =	sshrl.u32 s1, $0x2  }
0xba: {  	s3 =	sand.u32 $0x4000, s31;
	s1 =	sadd.s32 s1, s30  }
0xbb: {  	s0 =	sor.u32 s3, s0;
	s1 =	sshll.u32 s1, $0x11  }
0xbc: {  	s0 =	sor.u32 s1, s0  }
0xbd: {  	s0 =	sadd.s32 $0x8F2B, s0  }
0xbe: {  	[sflag:s0] =	ssyncadd.remote.s32 $0x1  }
0xbf: {  	_ =	sfence.sel $0xFFFF  }
0xc0: {  	[dreg:$0x0] =	wrdreg $0xFFFFFFFF;
	(pc) =	sbr.abs _section_cstart, $3  }
0xc1: {  	[dreg:$0x1] =	wrdreg $0xFFFFFFFF  }
0xc2: {  	_ =	task.clear_ibuf [dreg:s7], $0x2FFFF;
	_ =	strace $0x9FFFFFFF  }
0xc3: {  	(tm) =	ssettm $0x7FFFFFFF  }
tec
execute0_lowered:
.L_overlay_start_1:
0x0: {  	(tag) =	ssettag $0x1  }
0x1: {  	s1 =	rddreg [dreg:$0x0]  }
0x2: {  	s4 =	rddreg [dreg:$0x1]  }
0x3: {  	s2 =	rddreg [dreg:$0x2]  }
0x4: {  	s0 =	rddreg [dreg:$0x3]  }
0x5: {  	s3 =	simm.s32 $0x0;
	s5 =	srdreg.scid;
	s13 =	simm.s32 $0x5D00  }
0x6: {  	s14 =	simm.s32 $0x1;
	s15 =	simm.s32 $0x1F00;
	s16 =	simm.s32 $0x1EC0  }
0x7: {  	s17 =	simm.s32 $0x3E00;
	s18 =	simm.s32 $0x0;
	[smem:$0x7FF] =	sst s3  }
.Ltmp0:
0x8: {  	s8 =	sand.u32 $0x1, s5;
	s5 =	sadd.s32 $0x1000, s4;
	(pc) =	sbr.rel .LBB2_1-.Ltmp0, $4  }
0x9: {  	s6 =	sadd.s32 $0x2F200, s4;
	s7 =	sadd.s32 $0x5D400, s4;
	s9 =	ssub.s32 $0x2, s8  }
0xa: {  	s4 =	stileid.u32;
	s11 =	sadd.s32 $0x800, s2;
	s10 =	sshrl.u32 s9, $0x1  }
0xb: {  	_ =	strace $0x80000047;
	s8 =	sshll.u32 s8, $0x17;
	s10 =	ssub.s32 s9, s10  }
0xc: {  	s12 =	sshll.u32 s4, $0x2;
	s9 =	smul.u32 $0x17100, s4;
	s10 =	smax.u32 s10, $0x1  }
.LBB2_15:
0xd: {  	s18 =	sadd.s32 $0x1, s18  }
0xe: {  	p0 =	sne.s32 s18, s10  }
.Ltmp1:
0xf: {  	_ = 	snop;
	(pc) =	sbr.rel @!p0 .LBB2_16-.Ltmp1, $1  }
0x10: {  	_ =	sdelay $0x3  }
.LBB2_1:
.Ltmp2:
0x11: {  	(pc) =	sbr.rel .LBB2_2-.Ltmp2, $2  }
0x12: {  	_ =	sdelay $0x2  }
0x13: {  	s19 =	smov.u32 s8;
	s20 =	simm.s32 $0x0;
	s21 =	simm.s32 $0x0  }
.LBB2_13:
0x14: {  	[sflag:s14] =	ssyncadd.s32 $0xFFFFE000  }
.LBB2_14:
0x15: {  	s21 =	sadd.s32 $0x1, s21  }
0x16: {  	p0 =	sne.s32 s21, $0x6  }
.Ltmp3:
0x17: {  	_ = 	snop;
	(pc) =	sbr.rel @!p0 .LBB2_15-.Ltmp3, $3  }
0x18: {  	_ =	sdelay $0x1  }
0x19: {  	[bflag:$0x0] =	sbarrier.arrive $0xFFFF  }
0x1a: {  	s20 =	sadd.s32 $0xFFFFFFF5, s20;
	s19 =	sadd.s32 $0x160000, s19  }
.LBB2_2:
0x1b: {  	p0 =	slt.s32 s20, $0xFFFFFFCB;
	s22 =	smov.u32 s20;
	s23 =	smul.u32 $0xFFFFFFF5, s21  }
0x1c: {  	s22 =	simm.s32 @!p0 $0xFFFFFFCB  }
0x1d: {  	s22 =	sshll.u32 s22, $0xD;
	p0 =	slt.s32 s23, $0xFFFFFFCB  }
0x1e: {  	s22 =	sadd.s32 $0x80000, s22;
	s23 =	simm.s32 @!p0 $0xFFFFFFCB  }
0x1f: {  	s24 =	smul.u32 s22, s12;
	p0 =	slt.u32 s23, $0xFFFFFFC1  }
.Ltmp4:
0x20: {  	_ = 	snop;
	(pc) =	sbr.rel @p0 .LBB2_6-.Ltmp4, $3  }
0x21: {  	s22 =	smul.u32 s22, s4;
	_ =	sdelay $0x1  }
0x22: {  	s25 =	sshra.s32 s24, $0x2;
	s22 =	sadd.s32 s22, s19  }
0x23: {  	s24 =	sshrl.u32 s22, $0x3;
	s22 =	sadd.s32 $0x40, s23;
	s23 =	sadd.s32 s25, s11  }
0x24: {  	s28 =	sadd.s32 s24, s1  }
0x25: {  	[tilespmem:s13], [sflag:$0x1] =	stream.linear.gather [hbm4b:s28+s3], $0x2000, $0x38;
	[tilespmem:$0x1DE00] =	vst v63  }
0x26: {  	p1 =	sgt.u32 s22, $0x1;
	_ =	swait.ge [sflag:s14], $0x2000  }
.Ltmp5:
0x27: {  	[sflag:s14] =	ssyncset.done $0x0;
	(pc) =	sbr.rel @!p1 .LBB2_5-.Ltmp5, $4  }
0x28: {  	s25 =	sadd.s32 s25, s11;
	[sflag:s14] =	ssyncadd.s32 $0xFFFFE000  }
0x29: {  	[spmem:s25] =	stream.linear.scatter [tilespmem:s13], [sflag:$0x1], $0x2000, $0x38;
	[tilespmem:$0x1DE00] =	vst v63  }
0x2a: {  	_ =	swait.ge [sflag:s14], $0x2000  }
0x2b: {  	s26 =	simm.s32 $0x1;
	s28 =	sadd.s32 $0x400, s28;
	[sflag:s14] =	ssyncset.done $0x0  }
.LBB2_4:
0x2c: {  	s26 =	sadd.s32 $0x1, s26;
	[sflag:s14] =	ssyncadd.s32 $0xFFFFE000;
	s25 =	sadd.s32 $0x2000, s25  }
0x2d: {  	[tilespmem:s13], [sflag:$0x1] =	stream.linear.gather [hbm4b:s28+s3], $0x2000, $0x38;
	[tilespmem:$0x1DE00] =	vst v63  }
0x2e: {  	p1 =	slt.u32 s26, s22;
	_ =	swait.ge [sflag:s14], $0x2000  }
.Ltmp6:
0x2f: {  	[sflag:s14] =	ssyncset.done $0x0;
	(pc) =	sbr.rel @p1 .LBB2_4-.Ltmp6, $4  }
0x30: {  	[sflag:s14] =	ssyncadd.s32 $0xFFFFE000  }
0x31: {  	[spmem:s25] =	stream.linear.scatter [tilespmem:s13], [sflag:$0x1], $0x2000, $0x38;
	[tilespmem:$0x1DE00] =	vst v63  }
0x32: {  	_ =	swait.ge [sflag:s14], $0x2000  }
0x33: {  	s28 =	sadd.s32 $0x400, s28;
	[sflag:s14] =	ssyncset.done $0x0  }
.LBB2_5:
0x34: {  	[sflag:s14] =	ssyncadd.s32 $0xFFFFE000  }
.LBB2_6:
0x35: {  	s25 =	smul.u32 $0x160000, s21;
	_ =	sdelay $0x1  }
0x36: {  	s26 =	sshll.u32 s22, $0x11;
	s25 =	sadd.s32 s8, s25  }
0x37: {  	s24 =	sadd.s32 s24, s7;
	s26 =	sor.u32 $0x800, s26;
	s25 =	sadd.s32 $0xFFFFF800, s25  }
0x38: {  	[bflag:$0x0] =	sbarrier.arrive $0xFFFF;
	v1 =	vmov s26;
	s26 =	simm.s32 $0x0;
	v0 =	vmov s25;
	s25 =	simm.s32 $0x0  }
.LBB2_7:
0x39: {  	s28 =	smul.u32 $0x1EC0, s26;
	_ =	sdelay $0x1  }
0x3a: {  	s28 =	sadd.s32 s9, s28  }
0x3b: {  	s28 =	sshrl.u32 s28, $0x3  }
0x3c: {  	s29 =	sadd.s32 s5, s28  }
0x3d: {  	[tilespmem:s25], [sflag:$0x1] =	stream.linear.gather [hbm4b:s29+s25], $0x1EC0, $0x38;
	[tilespmem:$0x1DE00] =	vst v63  }
0x3e: {  	_ =	swait.ge [sflag:s14], $0x1EC0  }
0x3f: {  	[sflag:s14] =	ssyncset.done $0x0  }
0x40: {  	s28 =	sadd.s32 s6, s28;
	[sflag:s14] =	ssyncadd.s32 $0xFFFFE140  }
0x41: {  	[tilespmem:s15], [sflag:$0x1] =	stream.linear.gather [hbm4b:s28+s25], $0x1EC0, $0x38;
	[tilespmem:$0x1DE00] =	vst v63  }
0x42: {  	_ =	swait.ge [sflag:s14], $0x1EC0  }
0x43: {  	[sflag:s14] =	ssyncset.done $0x0  }
0x44: {  	s28 =	simm.s32 $0x0;
	[sflag:s14] =	ssyncadd.s32 $0xFFFFE140  }
0x45: {  	v2 =	vld [tilespmem:s28+$0x0];
	_ =	sdelay $0x2  }
0x46: {  	s29 =	simm.s32 $0x40  }
.LBB2_8:
0x47: {  	p1 =	sne.s32 s29, $0x7AC0  }
.Ltmp7:
0x48: {  	s30 =	sshra.s32 s29, $0x2;
	s29 =	sadd.s32 $0x40, s29;
	v3 =	vsub.s32 v2, v0;
	v4 =	vand.u32 $0x7FF, v2;
	(pc) =	sbr.rel @p1 .LBB2_8-.Ltmp7, $4  }
0x49: {  	v2 =	vld [tilespmem:s30+$0x0];
	vm0 =	vgt.s32 v3, v4  }
0x4a: {  	v3 =	vsel vm0, v3, v4;
	v4 =	vor.u32 v1, v4  }
0x4b: {  	v3 =	vmin.u32 v3, v4  }
0x4c: {  	[tilespmem:s28+$0x3E00] =	vst v3;
	s28 =	smov.u32 s30  }
0x4d: {  	_ = 	snop  }
0x4e: {  	v3 =	vsub.s32 v2, v0;
	v2 =	vand.u32 $0x7FF, v2  }
0x4f: {  	vm0 =	vgt.s32 v3, v2  }
0x50: {  	s26 =	sadd.s32 $0x1, s26;
	v3 =	vsel vm0, v3, v2;
	v2 =	vor.u32 v1, v2  }
0x51: {  	p1 =	sne.s32 s26, $0xC;
	v2 =	vmin.u32 v3, v2  }
.Ltmp8:
0x52: {  	[tilespmem:s28+$0x3E00] =	vst v2;
	(pc) =	sbr.rel @p1 .LBB2_7-.Ltmp8, $4  }
0x53: {  	[spmem:s2] =	stream.indirect.scatter.add.f32 [tilespmem:s15], [sflag:$0x1], $0x1, s17, s16, $0xb8;
	[tilespmem:$0x1DE00] =	vst v63  }
0x54: {  	_ =	swait.ge [sflag:s14], $0x1EC0  }
0x55: {  	[sflag:s14] =	ssyncset.done $0x0  }
0x56: {  	[sflag:s14] =	ssyncadd.s32 $0xFFFFE140  }
.Ltmp9:
0x57: {  	(pc) =	sbr.rel @p0 .LBB2_14-.Ltmp9, $3  }
0x58: {  	_ =	sdelay $0x1  }
0x59: {  	[bflag:$0x0] =	sbarrier.arrive $0xFFFF  }
0x5a: {  	s25 =	simm.s32 $0x0  }
0x5b: {  	[tilespmem:s13], [sflag:$0x1] =	stream.linear.gather [spmem:s23], $0x2000, $0x38;
	[tilespmem:$0x1DE00] =	vst v63  }
0x5c: {  	s25 =	sadd.s32 $0x1, s25  }
0x5d: {  	_ =	swait.ge [sflag:s14], $0x2000;
	p0 =	slt.u32 s25, s22  }
.Ltmp10:
0x5e: {  	[sflag:s14] =	ssyncset.done $0x0;
	(pc) =	sbr.rel @!p0 .LBB2_13-.Ltmp10, $4  }
0x5f: {  	[sflag:s14] =	ssyncadd.s32 $0xFFFFE000  }
0x60: {  	[hbm4b:s24+s3] =	stream.linear.scatter [tilespmem:s13], [sflag:$0x1], $0x2000, $0x38;
	[tilespmem:$0x1DE00] =	vst v63  }
0x61: {  	_ =	swait.ge [sflag:s14], $0x2000  }
0x62: {  	s24 =	sadd.s32 $0x400, s24;
	[sflag:s14] =	ssyncset.done $0x0  }
.LBB2_12:
0x63: {  	s25 =	sadd.s32 $0x1, s25;
	[sflag:s14] =	ssyncadd.s32 $0xFFFFE000;
	s23 =	sadd.s32 $0x2000, s23  }
0x64: {  	[tilespmem:s13], [sflag:$0x1] =	stream.linear.gather [spmem:s23], $0x2000, $0x38;
	[tilespmem:$0x1DE00] =	vst v63  }
0x65: {  	p0 =	slt.u32 s25, s22;
	_ =	swait.ge [sflag:s14], $0x2000  }
.Ltmp11:
0x66: {  	[sflag:s14] =	ssyncset.done $0x0;
	(pc) =	sbr.rel @p0 .LBB2_12-.Ltmp11, $4  }
0x67: {  	[sflag:s14] =	ssyncadd.s32 $0xFFFFE000  }
0x68: {  	[hbm4b:s24+s3] =	stream.linear.scatter [tilespmem:s13], [sflag:$0x1], $0x2000, $0x38;
	[tilespmem:$0x1DE00] =	vst v63  }
0x69: {  	_ =	swait.ge [sflag:s14], $0x2000  }
0x6a: {  	s24 =	sadd.s32 $0x400, s24;
	[sflag:s14] =	ssyncset.done $0x0  }
.Ltmp12:
0x6b: {  	_ = 	snop;
	(pc) =	sbr.rel .LBB2_13-.Ltmp12, $1  }
0x6c: {  	_ =	sdelay $0x3  }
.LBB2_16:
0x6d: {  	_ =	sfence.sel $0x180000  }
0x6e: {  	[bflag:$0x0] =	sbarrier.arrive $0xFFFF  }
0x6f: {  	p0 =	sne.s32 s4, $0x0;
	_ =	strace $0x90000047  }
0x70: {  	s0 =	sadd.s32 @!p0 $0x100000, s0;
	[bflag:$0x2] =	sbarrier.arrive $0xFFFF  }
0x71: {  	[sflag:s0] =	ssyncadd.tile.s32 @!p0 $0x1;
	_ =	shalt  }
.Lfunc_end2:
_tile_overlayer_lowered:
.L_overlay_start_2:
0x72: {  	(tag) =	ssettag $0x2  }
0x73: {  	s0 =	rddreg [dreg:$0x0];
	s2 =	stileid.u32  }
0x74: {  	s1 =	rddreg [dreg:$0x1];
	p0 =	sne.s32 s2, $0x0  }
0x75: {  	s3 =	rddreg [dreg:$0x2];
	[bflag:$0x3] =	sbarrier.arrive $0xFFFF;
	s2 =	simm.s32 @!p0 $0x1C01  }
0x76: {  	[timem:s3], [sflag:s2] =	dma.local @!p0 [hbm:s0], s1  }
0x77: {  	s0 =	simm.s32 @!p0 $0x1  }
0x78: {  	_ =	swait.ge @!p0 [sflag:s0], s1  }
0x79: {  	s1 =	ssub.s32 @!p0 $0x0, s1;
	[sflag:s0] =	ssyncset.done @!p0 $0x0  }
0x7a: {  	[sflag:s0] =	ssyncadd.s32 @!p0 s1  }
0x7b: {  	[bflag:$0x3] =	sbarrier.arrive $0xFFFF  }
0x7c: {  	_ =	shalt  }

</sc_bundles>
